<compile_context>
chip_gen: v7x
topology: tpu7x:2x2x1
jax: 0.10.2.dev20260603
libtpu: 0.0.44.dev20260713+nightly
codegen_flags: <defaults>
</compile_context>

<pallas_src>
import jax
import jax.numpy as jnp
from jax.experimental import pallas as pl


def _pick_block(rows: int) -> int:
    for rb in (2048, 1024, 512, 256, 128, 64, 32, 16, 8):
        if rows % rb == 0:
            return rb
    return rows


def _body(h_ref, t_ref, o_ref):
    i = pl.program_id(0)
    hb = h_ref[...]
    m = jnp.max(hb, axis=1, keepdims=True)
    io = jax.lax.broadcasted_iota(jnp.int32, hb.shape, 1)
    idx = jnp.min(jnp.where(hb == m, io, 196), axis=1, keepdims=True)
    y = idx // 14
    x = idx - y * 14
    px = x.astype(jnp.float32) * 0.0625
    py = y.astype(jnp.float32) * 0.0625
    tb = t_ref[...]
    d0 = px - tb[:, 0:1]
    d1 = py - tb[:, 1:2]
    s = jnp.sum(d0 * d0 + d1 * d1)[None, None]

    @pl.when(i == 0)
    def _():
        o_ref[...] = jnp.zeros_like(o_ref)

    o_ref[...] += s


def kernel(o, h, t, v):
    B, Nj, col, _ = h.shape
    R = B * Nj
    hr = h.reshape(R, col * col)
    tf = t.reshape(B, 2 * Nj)
    tab = jnp.stack([tf[:, :Nj].reshape(-1), tf[:, Nj:].reshape(-1)], axis=-1)
    rb = _pick_block(R)
    grid = (R // rb,)
    res = pl.pallas_call(
        _body,
        grid=grid,
        in_specs=[
            pl.BlockSpec((rb, col * col), lambda i: (i, 0)),
            pl.BlockSpec((rb, 2), lambda i: (i, 0)),
        ],
        out_specs=pl.BlockSpec((1, 1), lambda i: (0, 0)),
        out_shape=jax.ShapeDtypeStruct((1, 1), jnp.float32),
    )(hr, tab)
    return res[0, 0] / jnp.float32(R)

# --- scband reference (transcript-rebuilt; emitter-appended) ---
"""Pipeline reference for scband-mean-squared-error2-7541962572203 (READ-ONLY COPY).

The authoritative reference and input builder live on the scoring server;
editing this copy changes nothing except your own understanding.
"""

import jax, jax.numpy as jnp
import numpy as np


def setup_inputs(seed: int = 0) -> dict:
    key = jax.random.key(seed)
    k1, k2, k3 = jax.random.split(key, 3)
    B, Nj, col = 16384, 14, 14
    o = jax.random.normal(k1, (B, Nj, 2), dtype=jnp.float32)
    h = jax.random.normal(k2, (B, Nj, col, col), dtype=jnp.float32)
    t = jax.random.uniform(k3, (B, Nj, 2), dtype=jnp.float32)
    v = jnp.ones((B, Nj, 2), dtype=jnp.float32)
    return {"o": o, "h": h, "t": t, "v": v}


def reference(o, h, t, v):
    Nj, col = 14, 14
    B = h.shape[0]
    # build one-hot target heatmap tt (computed but unused, as in original torch code)
    ti = t * col
    xi = jnp.clip(ti[:, :, 0].astype(jnp.int32), 0, 14)
    yi = jnp.clip(ti[:, :, 1].astype(jnp.int32), 0, 14)
    ii = jnp.broadcast_to(jnp.arange(B)[:, None], (B, Nj))
    jj = jnp.broadcast_to(jnp.arange(Nj)[None, :], (B, Nj))
    tt = jnp.zeros(h.shape, dtype=jnp.float32).at[ii, jj, xi, yi].set(1.0)
    del tt  # unused downstream, matching original
    # argmax over flattened heatmap
    reshaped = h.reshape(-1, Nj, col * col)
    argmax = jnp.argmax(reshaped, axis=-1)
    yCoords = argmax // col
    xCoords = argmax - yCoords * col
    px = xCoords.astype(jnp.float32) * col / 224.0
    py = yCoords.astype(jnp.float32) * col / 224.0
    p = jnp.concatenate([px, py], axis=1)  # np.hstack
    # x is a detached leaf in the torch code (built from numpy), so stop_gradient
    x = jax.lax.stop_gradient(p.reshape(-1, Nj, 2).astype(jnp.float32))
    diff = x - t
    # use_visibility=False branch
    N = diff.size / 2
    diff = diff.reshape(-1)
    return jnp.dot(diff, diff) / N

if __name__ == "__main__":
    import jax
    _d = setup_inputs()
    print(jax.jit(kernel)(*tuple(_d.values())))

</pallas_src>

<mosaic_0001>
module attributes {stable_mosaic.version = 14 : i64} {
  func.func @_body(%arg0: i32, %arg1: memref<2048x196xf32, #tpu.memory_space<vmem>>, %arg2: memref<2048x2xf32, #tpu.memory_space<vmem>>, %arg3: memref<1x1xf32, #tpu.memory_space<vmem>>) attributes {dimension_semantics = [#tpu.dimension_semantics<arbitrary>], iteration_bounds = array<i64: 112>, scalar_prefetch = 0 : i64, scratch_operands = 0 : i64, tpu.core_type = #tpu.core_type<tc>, window_params = [{transform_indices = @transform_0, window_bounds = array<i64: 2048, 196>}, {transform_indices = @transform_1, window_bounds = array<i64: 2048, 2>}, {pipeline_mode = #tpu.pipeline_mode<synchronous>, transform_indices = @transform_2, window_bounds = array<i64: 1, 1>}]} {
    %get3A = arith.constant 0 : index
    %get3A_0 = arith.constant 0 : index
    %get3A_1 = vector.load %arg1[%get3A, %get3A_0] : memref<2048x196xf32, #tpu.memory_space<vmem>>, vector<2048x196xf32>
    %reduce_max3A = arith.constant dense<0xFF800000> : vector<2048xf32>
    %reduce_max3A_2 = vector.multi_reduction <maximumf>, %get3A_1, %reduce_max3A [1] : vector<2048x196xf32> to vector<2048xf32>
    %broadcast_in_dim3A = vector.shape_cast %reduce_max3A_2 : vector<2048xf32> to vector<2048x1xf32>
    %iota3A = tpu.iota {dimensions = array<i32: 1>} : vector<2048x196xi32>
    %eq3A = vector.broadcast %broadcast_in_dim3A : vector<2048x1xf32> to vector<2048x196xf32>
    %eq3A_3 = arith.cmpf oeq, %get3A_1, %eq3A : vector<2048x196xf32>
    %jit3A = arith.constant 196 : i32
    %broadcast_in_dim3A_4 = vector.broadcast %jit3A : i32 to vector<2048x196xi32>
    %select_n3A = arith.select %eq3A_3, %iota3A, %broadcast_in_dim3A_4 : vector<2048x196xi1>, vector<2048x196xi32>
    %reduce_min3A = arith.constant dense<2147483647> : vector<2048xi32>
    %reduce_min3A_5 = vector.multi_reduction <minsi>, %select_n3A, %reduce_min3A [1] : vector<2048x196xi32> to vector<2048xi32>
    %broadcast_in_dim3A_6 = vector.shape_cast %reduce_min3A_5 : vector<2048xi32> to vector<2048x1xi32>
    %jit3A_7 = arith.constant 14 : i32
    %div3A = vector.broadcast %jit3A_7 : i32 to vector<2048x1xi32>
    %div3A_8 = arith.divsi %broadcast_in_dim3A_6, %div3A : vector<2048x1xi32>
    %sign3A = arith.constant 0 : i32
    %sign3A_9 = vector.broadcast %sign3A : i32 to vector<2048x1xi32>
    %sign3A_10 = arith.cmpi sgt, %broadcast_in_dim3A_6, %sign3A_9 : vector<2048x1xi32>
    %sign3A_11 = arith.extui %sign3A_10 : vector<2048x1xi1> to vector<2048x1xi32>
    %sign3A_12 = arith.constant 0 : i32
    %sign3A_13 = vector.broadcast %sign3A_12 : i32 to vector<2048x1xi32>
    %sign3A_14 = arith.cmpi slt, %broadcast_in_dim3A_6, %sign3A_13 : vector<2048x1xi32>
    %sign3A_15 = arith.extui %sign3A_14 : vector<2048x1xi1> to vector<2048x1xi32>
    %sign3A_16 = arith.subi %sign3A_11, %sign3A_15 : vector<2048x1xi32>
    %sign3A_17 = arith.constant 0 : i32
    %sign3A_18 = arith.cmpi sgt, %jit3A_7, %sign3A_17 : i32
    %sign3A_19 = arith.extui %sign3A_18 : i1 to i32
    %sign3A_20 = arith.constant 0 : i32
    %sign3A_21 = arith.cmpi slt, %jit3A_7, %sign3A_20 : i32
    %sign3A_22 = arith.extui %sign3A_21 : i1 to i32
    %sign3A_23 = arith.subi %sign3A_19, %sign3A_22 : i32
    %ne3A = vector.broadcast %sign3A_23 : i32 to vector<2048x1xi32>
    %ne3A_24 = arith.cmpi ne, %sign3A_16, %ne3A : vector<2048x1xi32>
    %rem3A = vector.broadcast %jit3A_7 : i32 to vector<2048x1xi32>
    %rem3A_25 = arith.remsi %broadcast_in_dim3A_6, %rem3A : vector<2048x1xi32>
    %ne3A_26 = arith.constant 0 : i32
    %ne3A_27 = vector.broadcast %ne3A_26 : i32 to vector<2048x1xi32>
    %ne3A_28 = arith.cmpi ne, %rem3A_25, %ne3A_27 : vector<2048x1xi32>
    %and3A = arith.andi %ne3A_24, %ne3A_28 : vector<2048x1xi1>
    %sub3A = arith.constant 1 : i32
    %sub3A_29 = vector.broadcast %sub3A : i32 to vector<2048x1xi32>
    %sub3A_30 = arith.subi %div3A_8, %sub3A_29 : vector<2048x1xi32>
    %select_n3A_31 = arith.select %and3A, %sub3A_30, %div3A_8 : vector<2048x1xi1>, vector<2048x1xi32>
    %mul3A = arith.constant 14 : i32
    %mul3A_32 = vector.broadcast %mul3A : i32 to vector<2048x1xi32>
    %mul3A_33 = arith.muli %select_n3A_31, %mul3A_32 : vector<2048x1xi32>
    %sub3A_34 = arith.subi %broadcast_in_dim3A_6, %mul3A_33 : vector<2048x1xi32>
    %convert_element_type3A = arith.sitofp %sub3A_34 : vector<2048x1xi32> to vector<2048x1xf32>
    %mul3A_35 = arith.constant 6.250000e-02 : f32
    %mul3A_36 = vector.broadcast %mul3A_35 : f32 to vector<2048x1xf32>
    %mul3A_37 = arith.mulf %convert_element_type3A, %mul3A_36 : vector<2048x1xf32>
    %convert_element_type3A_38 = arith.sitofp %select_n3A_31 : vector<2048x1xi32> to vector<2048x1xf32>
    %mul3A_39 = arith.constant 6.250000e-02 : f32
    %mul3A_40 = vector.broadcast %mul3A_39 : f32 to vector<2048x1xf32>
    %mul3A_41 = arith.mulf %convert_element_type3A_38, %mul3A_40 : vector<2048x1xf32>
    %get3A_42 = arith.constant 0 : index
    %get3A_43 = arith.constant 0 : index
    %get3A_44 = vector.load %arg2[%get3A_42, %get3A_43] : memref<2048x2xf32, #tpu.memory_space<vmem>>, vector<2048x2xf32>
    %slice3A = vector.extract_strided_slice %get3A_44 {offsets = [0, 0], sizes = [2048, 1], strides = [1, 1]} : vector<2048x2xf32> to vector<2048x1xf32>
    %sub3A_45 = arith.subf %mul3A_37, %slice3A : vector<2048x1xf32>
    %slice3A_46 = vector.extract_strided_slice %get3A_44 {offsets = [0, 1], sizes = [2048, 1], strides = [1, 1]} : vector<2048x2xf32> to vector<2048x1xf32>
    %sub3A_47 = arith.subf %mul3A_41, %slice3A_46 : vector<2048x1xf32>
    %mul3A_48 = arith.mulf %sub3A_45, %sub3A_45 : vector<2048x1xf32>
    %mul3A_49 = arith.mulf %sub3A_47, %sub3A_47 : vector<2048x1xf32>
    %add3A = arith.addf %mul3A_48, %mul3A_49 : vector<2048x1xf32>
    %reduce_sum3A = vector.shape_cast %add3A : vector<2048x1xf32> to vector<1x2048x1xf32>
    %reduce_sum3A_50 = arith.constant dense<0.000000e+00> : vector<1xf32>
    %reduce_sum3A_51 = vector.multi_reduction <add>, %reduce_sum3A, %reduce_sum3A_50 [1, 2] : vector<1x2048x1xf32> to vector<1xf32>
    %reduce_sum3A_52 = vector.shape_cast %reduce_sum3A_51 : vector<1xf32> to vector<1x1x1xf32>
    %reduce_sum3A_53 = vector.extract %reduce_sum3A_52[0, 0, 0] : f32 from vector<1x1x1xf32>
    %broadcast_in_dim3A_54 = vector.broadcast %reduce_sum3A_53 : f32 to vector<1x1xf32>
    %eq3A_55 = arith.constant 0 : i32
    %eq3A_56 = arith.cmpi eq, %arg0, %eq3A_55 : i32
    %convert_element_type3A_57 = arith.extui %eq3A_56 : i1 to i32
    %cond3A = arith.constant 0 : i32
    %cond3A_58 = arith.cmpi ne, %convert_element_type3A_57, %cond3A : i32
    scf.if %cond3A_58 {
      %broadcast_in_dim3A_65 = arith.constant 0.000000e+00 : f32
      %broadcast_in_dim3A_66 = vector.broadcast %broadcast_in_dim3A_65 : f32 to vector<1x1xf32>
      %swap3A_67 = arith.constant 0 : index
      %swap3A_68 = arith.constant 0 : index
      %swap3A_69 = vector.load %arg3[%swap3A_67, %swap3A_68] : memref<1x1xf32, #tpu.memory_space<vmem>>, vector<1x1xf32>
      tpu.vector_store %arg3[%swap3A_67, %swap3A_68], %broadcast_in_dim3A_66 {strides = array<i32>} : memref<1x1xf32, #tpu.memory_space<vmem>>, vector<1x1xf32>,
    } else {
    }
    %get3A_59 = arith.constant 0 : index
    %get3A_60 = arith.constant 0 : index
    %get3A_61 = vector.load %arg3[%get3A_59, %get3A_60] : memref<1x1xf32, #tpu.memory_space<vmem>>, vector<1x1xf32>
    %add3A_62 = arith.addf %get3A_61, %broadcast_in_dim3A_54 : vector<1x1xf32>
    %swap3A = arith.constant 0 : index
    %swap3A_63 = arith.constant 0 : index
    %swap3A_64 = vector.load %arg3[%swap3A, %swap3A_63] : memref<1x1xf32, #tpu.memory_space<vmem>>, vector<1x1xf32>
    tpu.vector_store %arg3[%swap3A, %swap3A_63], %add3A_62 {strides = array<i32>} : memref<1x1xf32, #tpu.memory_space<vmem>>, vector<1x1xf32>,
    return
  }
  func.func @transform_0(%arg0: i32) -> (i32, i32) {
    %c0_i32 = arith.constant 0 : i32
    %c0_i32_0 = arith.constant 0 : i32
    return %arg0, %c0_i32 : i32, i32
  }
  func.func @transform_1(%arg0: i32) -> (i32, i32) {
    %c0_i32 = arith.constant 0 : i32
    %c0_i32_0 = arith.constant 0 : i32
    return %arg0, %c0_i32 : i32, i32
  }
  func.func @transform_2(%arg0: i32) -> (i32, i32) {
    %c0_i32 = arith.constant 0 : i32
    %c0_i32_0 = arith.constant 0 : i32
    %c0_i32_1 = arith.constant 0 : i32
    return %c0_i32, %c0_i32_0 : i32, i32
  }
}

</mosaic_0001>

<sc_bundles>
// kernel: sparse-core-data-format-call.cloned.1.call-start
scs
called_computation_lowered:
.L_overlay_start_0:
0x0: {  	s2 =	sld [smem:$0x3FD9]  }
0x1: {  	s3 =	sld [smem:$0x3FFE];
	_ =	sdelay $0x1  }
0x2: {  	s1 =	srdreg.scid  }
0x3: {  	s0 =	sand.u32 $0x1, s1  }
0x4: {  	s18 =	sshll.u32 s0, $0xA;
	s2 =	sadd.s32 s3, s2  }
0x5: {  	s2 =	sadd.s32 s2, s18  }
0x6: {  	[smem:$0x3FC6] =	sst s2  }
0x7: {  	_ = 	snop  }
0x8: {  	s2 =	sld [smem:$0x3FC9];
	(tm) =	ssettm $0x1  }
0x9: {  	s19 =	sld [smem:$0x3FFB];
	_ =	sdelay $0x3  }
0xa: {  	_ =	strace s19  }
0xb: {  	s3 =	sld [smem:$0x3FFC];
	_ =	sdelay $0x3  }
0xc: {  	_ =	strace s3  }
0xd: {  	s3 =	sld [smem:$0x3FFD];
	_ =	sdelay $0x3  }
0xe: {  	_ =	strace s3  }
0xf: {  	_ =	strace $0x8FFFFFFF  }
0x10: {  	s20 =	sld [smem:$0x3FDB];
	_ =	sdelay $0x1  }
0x11: {  	s4 =	simm.s32 $_scs_section_size  }
0x12: {  	s5 =	simm.s32 $_size__tile_overlayer_lowered;
	s6 =	simm.s32 $_tile_overlayer_lowered  }
0x13: {  	s23 =	simm.s32 $0x1BFF;
	s22 =	sshll.u32 s6, $0x1;
	s3 =	sadd.s32 s4, s20  }
0x14: {  	s7 =	simm.s32 $0x0;
	s21 =	sshll.u32 s5, $0x1;
	s5 =	sadd.s32 s22, s3  }
0x15: {  	[timem:s7], [sflag:s23] =	dma.local [hbm:s5], s21  }
0x16: {  	_ =	swait.ge [sflag:s23], s21  }
0x17: {  	s4 =	ssub.s32 $0x0, s21;
	[sflag:s23] =	ssyncset.done $0x0  }
0x18: {  	[sflag:s23] =	ssyncadd.s32 s4;
	_ =	sdelay $0x1  }
0x19: {  	s24 =	simm.s32 $0x1B8B  }
0x1a: {  	_ =	swait.ge [sflag:s24], $0x1  }
0x1b: {  	[sflag:s24] =	ssyncset.done $0x0  }
0x1c: {  	s26 =	simm.s32 $0x1B8E;
	s25 =	sld [smem:$0x3FFE];
	[sflag:s24] =	ssyncadd.s32 $0xFFFFFFFF  }
0x1d: {  	s27 =	simm.s32 $execute0_lowered;
	[smem:$0x3FD2] =	sst s26  }
0x1e: {  	s5 =	sshll.u32 s27, $0x1;
	_ =	strace $0x80000046;
	[dreg:$0x1] =	wrdreg $0xFFFFFFFF  }
0x1f: {  	s28 =	simm.s32 $_size_execute0_lowered;
	s3 =	sadd.s32 s3, s5;
	[dreg:$0x0] =	wrdreg $0x0  }
0x20: {  	s5 =	sshll.u32 s28, $0x1;
	[dreg:$0x2] =	wrdreg s3  }
0x21: {  	[dreg:$0x3] =	wrdreg s5  }
0x22: {  	[dreg:$0x4] =	wrdreg $0xC0  }
0x23: {  	_ =	task [dreg:s7], $0x5FFFF  }
0x24: {  	[dreg:$0x1] =	wrdreg $0xFFFFFFFF  }
0x25: {  	[dreg:$0x0] =	wrdreg $0x60  }
0x26: {  	[dreg:$0x2] =	wrdreg s2  }
0x27: {  	[dreg:$0x3] =	wrdreg s25  }
0x28: {  	[dreg:$0x4] =	wrdreg $0x9  }
0x29: {  	_ =	task.clear_ibuf [dreg:s7], $0x5FFFF;
	_ =	strace $0x90000046  }
0x2a: {  	s29 =	simm.s32 $0x9;
	_ =	strace $0x80000048  }
0x2b: {  	_ =	swait.ge [sflag:s29], $0x1  }
0x2c: {  	[sflag:s29] =	ssyncadd.s32 $0xFFFFFFFF  }
0x2d: {  	_ =	strace $0x90000048  }
0x2e: {  	_ =	sfence  }
0x2f: {  	s30 =	sld [smem:$0x0];
	_ =	sdelay $0x2  }
0x30: {  	s31 =	sshll.u32 s1, $0xD;
	s1 =	sshrl.u32 s1, $0x2  }
0x31: {  	s3 =	sand.u32 $0x4000, s31;
	s1 =	sadd.s32 s1, s30  }
0x32: {  	s0 =	sor.u32 s3, s0;
	s1 =	sshll.u32 s1, $0x11  }
0x33: {  	s0 =	sor.u32 s1, s0  }
0x34: {  	s0 =	sadd.s32 $0x8F2B, s0  }
0x35: {  	[sflag:s0] =	ssyncadd.remote.s32 $0x1  }
0x36: {  	_ =	sfence.sel $0xFFFF  }
0x37: {  	[dreg:$0x0] =	wrdreg $0xFFFFFFFF;
	(pc) =	sbr.abs _section_cstart, $3  }
0x38: {  	[dreg:$0x1] =	wrdreg $0xFFFFFFFF  }
0x39: {  	_ =	task.clear_ibuf [dreg:s7], $0x2FFFF;
	_ =	strace $0x9FFFFFFF  }
0x3a: {  	(tm) =	ssettm $0x7FFFFFFF  }
0x3b: {  	_ =	shalt  }
tec
execute0_lowered:
.L_overlay_start_1:
0x0: {  	(tag) =	ssettag $0x1  }
0x1: {  	s2 =	stileid.u32;
	s0 =	srdreg.scid  }
0x2: {  	s28 =	rddreg [dreg:$0x0];
	s1 =	sshll.u32 s2, $0x9;
	s0 =	sshll.u32 s0, $0xD  }
0x3: {  	s6 =	rddreg [dreg:$0x1];
	s0 =	sor.u32 s1, s0  }
0x4: {  	_ =	strace $0x80000047;
	s29 =	simm.s32 $0x1;
	s7 =	sand.u32 $0x3C00, s0  }
0x5: {  	s30 =	simm.s32 $0x2;
	s8 =	sand.u32 $0x1, s2;
	s0 =	ssub.s32 $0x4000, s7  }
0x6: {  	s10 =	simm.s32 $0x0;
	s3 =	ssub.s32 $0xE, s8;
	s4 =	sand.u32 $0x3C00, s0  }
0x7: {  	s5 =	sshrl.u32 s3, $0x1;
	p0 =	sne.s32 s4, $0x0;
	s4 =	simm.s32 $0x1  }
0x8: {  	s3 =	sand.u32 $0x1, s3;
	s0 =	sshrl.u32 s0, $0xE;
	s4 =	simm.s32 @!p0 $0x0  }
0x9: {  	s31 =	sadd.s32 $0x800, s6;
	s3 =	sadd.s32 s3, s5;
	s0 =	sadd.s32 s4, s0  }
0xa: {  	s14 =	simm.s32 $0x0;
	[dreg:$0x6] =	wrdreg s31;
	s0 =	smul.u32 s0, s3  }
.Ltmp0:
0xb: {  	s11 =	simm.s32 $0x0;
	[dreg:$0x4] =	wrdreg s8;
	(pc) =	sbr.rel .LBB1_1-.Ltmp0, $4  }
0xc: {  	s6 =	sadd.s32 s28, s7;
	[dreg:$0x3] =	wrdreg s7;
	s5 =	smul.u32 $0xE, s0  }
0xd: {  	s13 =	simm.s32 $0x0;
	[sflag:s29] =	ssyncpa.u1 $0x0;
	[dreg:$0x7] =	wrdreg s6  }
0xe: {  	s2 =	simm.s32 $0x0;
	s9 =	sor.u32 $0x1, s5;
	[dreg:$0x5] =	wrdreg s5  }
0xf: {  	[sflag:s30] =	ssyncpa.u1 $0x0;
	s12 =	smov.u32 s8;
	[dreg:$0x8] =	wrdreg s9  }
.LBB1_7:
0x10: {  	s0 =	sadd.s32 $0x1, s11  }
0x11: {  	s2 =	sadd.s32 $0x2, s12;
	s3 =	smov.u32 s12;
	p1 =	sgt.s32 s0, $0xD  }
0x12: {  	s3 =	smov.u32 @p1 s2  }
0x13: {  	s0 =	simm.s32 @p1 $0x0;
	p1 =	sgt.s32 s3, $0xD  }
0x14: {  	s3 =	smov.u32 @p1 s8;
	p1 =	sne.s32 s13, s9  }
.Ltmp1:
0x15: {  	p0 =	slt.u32 s13, $0x2;
	(pc) =	sbr.rel @!p1 .LBB1_8-.Ltmp1, $4  }
0x16: {  	s1 =	simm.s32 @!p0 $0x2  }
0x17: {  	s14 =	smov.u32 s12;
	s10 =	smov.u32 s7;
	_ =	swait.ge @!p0 [sflag:s1], $0x4000  }
0x18: {  	s2 =	smov.u32 s11;
	[sflag:s1] =	ssyncset.done @!p0 $0x0;
	s11 =	smov.u32 s0  }
0x19: {  	s13 =	sadd.s32 $0x1, s13;
	[sflag:s1] =	ssyncadd.s32 @!p0 $0xFFFFC000;
	s12 =	smov.u32 s3  }
.LBB1_1:
0x1a: {  	p0 =	sge.u32 s13, s5  }
0x1b: {  	s1 =	smul.u32 @!p0 $0x70000, s12  }
0x1c: {  	s31 =	sadd.s32 $0xFFFFFFFF, s13;
	s0 =	sxor.u32 @!p0 $0xFFFFFFFF, s13;
	s3 =	sshll.u32 @!p0 s11, $0xF  }
0x1d: {  	s4 =	simm.s32 @!p0 $0x20000;
	s0 =	sshll.u32 @!p0 s0, $0xE;
	s1 =	sadd.s32 @!p0 s1, s6  }
0x1e: {  	s0 =	sand.u32 @!p0 $0x4000, s0;
	s1 =	sadd.s32 @!p0 s3, s1;
	s3 =	simm.s32 @!p0 $0x2000  }
0x1f: {  	[tilespmem:s0], [sflag:$0x1] =	stream.strided.gather @!p0 [hbm4b:s1+s3], $0x4000, s4, s3, $0x38;
	[tilespmem:$0x10800] =	vst v63  }
0x20: {  	p0 =	sge.u32 s31, s5  }
.Ltmp2:
0x21: {  	_ = 	snop;
	(pc) =	sbr.rel @p0 .LBB1_7-.Ltmp2, $1  }
0x22: {  	_ =	sdelay $0x3  }
0x23: {  	[dreg:$0xb] =	wrdreg s14  }
0x24: {  	[dreg:$0xa] =	wrdreg s10;
	s0 =	sand.u32 $0x1, s13  }
0x25: {  	[dreg:$0x9] =	wrdreg s2;
	s31 =	simm.s32 $0x1;
	s1 =	smul.u32 $0x11000, s0  }
0x26: {  	_ =	swait.ge [sflag:s31], $0x4000  }
0x27: {  	s19 =	simm.s32 $0x0;
	[sflag:s31] =	ssyncset.done $0x0;
	s1 =	sshrl.u32 s1, $0x2  }
0x28: {  	s18 =	sshll.u32 s0, $0xE;
	[sflag:s31] =	ssyncadd.s32 $0xFFFFC000;
	s17 =	sor.u32 $0x8000, s1  }
.LBB1_3:
0x29: {  	s0 =	sshll.u32 s19, $0xA  }
0x2a: {  	s1 =	sshll.u32 s19, $0x7;
	s0 =	sand.u32 $0x2000, s0  }
0x2b: {  	s1 =	sand.u32 $0x380, s1;
	s0 =	sadd.s32 s0, s18  }
0x2c: {  	s0 =	sadd.s32 s1, s0  }
0x2d: {  	s20 =	sadd.s32 s19, s17;
	p0 =	por $0x1, $0x1;
	s21 =	simm.s32 $0x0;
	v0 =	vmov s0  }
.LBB1_4:
0x2e: {  	s0 =	smul.u32 $0x44, s21;
	s1 =	sshll.u32 s21, $0x3;
	s4 =	sor.u32 $0x80, s21  }
0x2f: {  	s29 =	sor.u32 $0x90, s21;
	s31 =	sor.u32 $0xA0, s21;
	s8 =	sor.u32 $0xB0, s21  }
0x30: {  	s16 =	sor.u32 $0xC0, s21;
	s3 =	sand.u32 $0x3FFFFFF8, s1;
	s27 =	smul.u32 $0x44, s4  }
0x31: {  	s28 =	sshll.u32 s4, $0x3;
	s6 =	smul.u32 $0x44, s29;
	s30 =	sshll.u32 s29, $0x3  }
0x32: {  	s5 =	smul.u32 $0x44, s31;
	s7 =	sshll.u32 s31, $0x3;
	s15 =	sshll.u32 s8, $0x3  }
0x33: {  	s29 =	sshll.u32 s16, $0x3;
	s0 =	sshra.s32 s0, $0x2;
	s9 =	sand.u32 $0x1400, s30  }
0x34: {  	s10 =	sand.u32 $0x1400, s7;
	s7 =	smul.u32 $0x44, s8;
	s4 =	sand.u32 $0x1400, s29  }
0x35: {  	s29 =	sor.u32 $0xE0, s21;
	s0 =	sadd.s32 s0, s17;
	s1 =	sshra.s32 s27, $0x2  }
0x36: {  	s2 =	sshra.s32 s6, $0x2;
	s14 =	sshra.s32 s5, $0x2;
	s6 =	sand.u32 $0x1400, s15  }
0x37: {  	s27 =	smul.u32 $0x44, s16;
	s5 =	sshll.u32 s29, $0x3;
	s22 =	sadd.s32 s19, s0  }
0x38: {  	s0 =	sand.u32 $0x3FFFFFF8, s28;
	s23 =	sadd.s32 s1, s20;
	s24 =	sadd.s32 s2, s20  }
0x39: {  	s25 =	sadd.s32 s14, s20;
	s26 =	sshra.s32 s7, $0x2;
	s28 =	sor.u32 $0xD0, s21  }
0x3a: {  	v1 =	vld.idx.msk [tilespmem:v0+s3+$0x0 ss:$0x1], $0xffff;
	s30 =	sshra.s32 s27, $0x2;
	s31 =	smul.u32 $0x44, s28;
	s2 =	sshll.u32 s28, $0x3  }
0x3b: {  	v2 =	vld.idx.msk [tilespmem:v0+s3+$0x10 ss:$0x1], $0xffff;
	s26 =	sadd.s32 s26, s20;
	s27 =	sadd.s32 s30, s20;
	s1 =	sand.u32 $0x1400, s2  }
0x3c: {  	v3 =	vld.idx.msk [tilespmem:v0+s3+$0x20 ss:$0x1], $0xffff;
	s30 =	smul.u32 $0x44, s29;
	s2 =	sor.u32 $0x100, s21;
	s7 =	sshra.s32 s31, $0x2  }
0x3d: {  	v4 =	vld.idx.msk [tilespmem:v0+s3+$0x30 ss:$0x1], $0xffff;
	s31 =	sor.u32 $0xF0, s21;
	s15 =	smul.u32 $0x44, s2;
	s2 =	sshll.u32 s2, $0x3  }
0x3e: {  	v5 =	vld.idx.msk [tilespmem:v0+s3+$0x40 ss:$0x1], $0xffff;
	s28 =	sadd.s32 s7, s20;
	s7 =	sand.u32 $0x1400, s5;
	s8 =	sshra.s32 s30, $0x2  }
0x3f: {  	[tilespmem:s22+$0x0 ss:$0x11] =	vst.msk $0xffff, v1;
	v1 =	vld.idx.msk [tilespmem:v0+s3+$0x50 ss:$0x1], $0xffff;
	s14 =	smul.u32 $0x44, s31;
	s31 =	sshll.u32 s31, $0x3;
	s5 =	sor.u32 $0x110, s21  }
0x40: {  	v55 =	vld.idx.msk [tilespmem:v0+s9+$0x10 ss:$0x1], $0xffff;
	s2 =	sand.u32 $0x3FFFFFF8, s2;
	s29 =	sadd.s32 s8, s20;
	s8 =	sand.u32 $0x1400, s31  }
0x41: {  	[tilespmem:s22+$0x110 ss:$0x11] =	vst.msk $0xffff, v2;
	v2 =	vld.idx.msk [tilespmem:v0+s3+$0x60 ss:$0x1], $0xffff;
	s31 =	sshra.s32 s15, $0x2;
	s30 =	sshra.s32 s14, $0x2;
	s14 =	smul.u32 $0x44, s5  }
0x42: {  	[tilespmem:s22+$0x220 ss:$0x11] =	vst.msk $0xffff, v3;
	s15 =	sor.u32 $0x120, s21;
	v57 =	vld.idx.msk [tilespmem:v0+s7+$0x60 ss:$0x1], $0xffff;
	s31 =	sadd.s32 s31, s20;
	s5 =	sshll.u32 s5, $0x3  }
0x43: {  	v3 =	vld.idx.msk [tilespmem:v0+s3+$0x70 ss:$0x1], $0xffff;
	[tilespmem:s22+$0x330 ss:$0x11] =	vst.msk $0xffff, v4;
	s16 =	smul.u32 $0x44, s15;
	s30 =	sadd.s32 s30, s20;
	s14 =	sshra.s32 s14, $0x2  }
0x44: {  	[tilespmem:s22+$0x550 ss:$0x11] =	vst.msk $0xffff, v1;
	v1 =	vld.idx.msk [tilespmem:v0+s10+$0x20 ss:$0x1], $0xffff;
	s3 =	sadd.s32 s14, s20;
	s14 =	sshll.u32 s15, $0x3;
	s15 =	sor.u32 $0x130, s21  }
0x45: {  	v54 =	vld.idx.msk [tilespmem:v0+s0+$0x0 ss:$0x1], $0xffff;
	[tilespmem:s22+$0x440 ss:$0x11] =	vst.msk $0xffff, v5;
	s5 =	sand.u32 $0x1800, s5;
	s0 =	sshra.s32 s16, $0x2;
	s16 =	smul.u32 $0x44, s15  }
0x46: {  	[tilespmem:s22+$0x660 ss:$0x11] =	vst.msk $0xffff, v2;
	s0 =	sadd.s32 s0, s20;
	s14 =	sand.u32 $0x1800, s14;
	s9 =	sshll.u32 s15, $0x3  }
0x47: {  	v2 =	vld.idx.msk [tilespmem:v0+s6+$0x30 ss:$0x1], $0xffff;
	s15 =	sor.u32 $0x140, s21;
	[tilespmem:s29+$0x0 ss:$0x11] =	vst.msk $0xffff, v57;
	s29 =	sor.u32 $0x190, s21;
	s10 =	sshra.s32 s16, $0x2  }
0x48: {  	[tilespmem:s22+$0x770 ss:$0x11] =	vst.msk $0xffff, v3;
	s9 =	sand.u32 $0x1800, s9;
	s16 =	smul.u32 $0x44, s15;
	s6 =	sadd.s32 s10, s20  }
0x49: {  	v3 =	vld.idx.msk [tilespmem:v0+s4+$0x40 ss:$0x1], $0xffff;
	s10 =	sshll.u32 s15, $0x3;
	s15 =	sor.u32 $0x150, s21;
	[tilespmem:s25+$0x0 ss:$0x11] =	vst.msk $0xffff, v1;
	s25 =	sor.u32 $0x170, s21  }
0x4a: {  	v56 =	vld.idx.msk [tilespmem:v0+s1+$0x50 ss:$0x1], $0xffff;
	[tilespmem:s24+$0x0 ss:$0x11] =	vst.msk $0xffff, v55;
	s4 =	sand.u32 $0x1800, s10;
	s16 =	sshra.s32 s16, $0x2;
	s22 =	smul.u32 $0x44, s15  }
0x4b: {  	[tilespmem:s23+$0x0 ss:$0x11] =	vst.msk $0xffff, v54;
	v1 =	vld.idx.msk [tilespmem:v0+s8+$0x70 ss:$0x1], $0xffff;
	s23 =	sshll.u32 s15, $0x3;
	s15 =	sor.u32 $0x160, s21;
	s1 =	sadd.s32 s16, s20  }
0x4c: {  	[tilespmem:s26+$0x0 ss:$0x11] =	vst.msk $0xffff, v2;
	v2 =	vld.idx.msk [tilespmem:v0+s2+$0x0 ss:$0x1], $0xffff;
	s7 =	sand.u32 $0x1800, s23;
	s23 =	smul.u32 $0x44, s15;
	s24 =	sshll.u32 s15, $0x3  }
0x4d: {  	s22 =	sshra.s32 s22, $0x2;
	s2 =	sand.u32 $0x1800, s24;
	s24 =	sshll.u32 s25, $0x3  }
0x4e: {  	[tilespmem:s27+$0x0 ss:$0x11] =	vst.msk $0xffff, v3;
	v3 =	vld.idx.msk [tilespmem:v0+s5+$0x10 ss:$0x1], $0xffff;
	s8 =	sadd.s32 s22, s20;
	s22 =	sshra.s32 s23, $0x2;
	s23 =	smul.u32 $0x44, s25  }
0x4f: {  	[tilespmem:s28+$0x0 ss:$0x11] =	vst.msk $0xffff, v56;
	v58 =	vld.idx.msk [tilespmem:v0+s14+$0x20 ss:$0x1], $0xffff;
	s25 =	sor.u32 $0x180, s21;
	s10 =	sand.u32 $0x1800, s24;
	s24 =	smul.u32 $0x44, s29  }
0x50: {  	v59 =	vld.idx.msk [tilespmem:v0+s9+$0x30 ss:$0x1], $0xffff;
	s5 =	sadd.s32 s22, s20;
	s27 =	smul.u32 $0x44, s25;
	s28 =	sshll.u32 s25, $0x3;
	[tilespmem:s30+$0x0 ss:$0x11] =	vst.msk $0xffff, v1  }
0x51: {  	v1 =	vld.idx.msk [tilespmem:v0+s4+$0x40 ss:$0x1], $0xffff;
	[tilespmem:s31+$0x0 ss:$0x11] =	vst.msk $0xffff, v2;
	s25 =	sshll.u32 s29, $0x3;
	s31 =	sor.u32 $0x1B0, s21;
	s26 =	sshra.s32 s23, $0x2  }
0x52: {  	v2 =	vld.idx.msk [tilespmem:v0+s7+$0x50 ss:$0x1], $0xffff;
	s22 =	sand.u32 $0x3FFFFFF8, s28;
	s28 =	sshra.s32 s24, $0x2;
	s15 =	sshll.u32 s31, $0x3  }
0x53: {  	[tilespmem:s3+$0x0 ss:$0x11] =	vst.msk $0xffff, v3;
	v3 =	vld.idx.msk [tilespmem:v0+s2+$0x60 ss:$0x1], $0xffff;
	s9 =	sadd.s32 s26, s20;
	s23 =	sshra.s32 s27, $0x2;
	s26 =	sor.u32 $0x1A0, s21  }
0x54: {  	[tilespmem:s0+$0x0 ss:$0x11] =	vst.msk $0xffff, v58;
	v60 =	vld.idx.msk [tilespmem:v0+s10+$0x70 ss:$0x1], $0xffff;
	s27 =	sand.u32 $0x1C00, s25;
	s0 =	sadd.s32 s28, s20;
	s16 =	sand.u32 $0x1C00, s15  }
0x55: {  	v61 =	vld.idx.msk [tilespmem:v0+s22+$0x0 ss:$0x1], $0xffff;
	s22 =	sor.u32 $0x1C0, s21;
	s25 =	sor.u32 $0x1D0, s21;
	s28 =	sor.u32 $0x1E0, s21  }
0x56: {  	[tilespmem:s6+$0x0 ss:$0x11] =	vst.msk $0xffff, v59;
	s7 =	sadd.s32 s23, s20;
	s29 =	smul.u32 $0x44, s26;
	s30 =	sshll.u32 s26, $0x3  }
0x57: {  	s23 =	smul.u32 $0x44, s31;
	s24 =	sshll.u32 s22, $0x3;
	s3 =	sand.u32 $0x1C00, s30;
	[tilespmem:s1+$0x0 ss:$0x11] =	vst.msk $0xffff, v1;
	v1 =	vld.idx.msk [tilespmem:v0+s27+$0x10 ss:$0x1], $0xffff  }
0x58: {  	s31 =	sor.u32 $0x1F0, s21;
	s4 =	smul.u32 $0x44, s22;
	s26 =	sand.u32 $0x1C00, s24;
	[tilespmem:s8+$0x0 ss:$0x11] =	vst.msk $0xffff, v2;
	v2 =	vld.idx.msk [tilespmem:v0+s3+$0x20 ss:$0x1], $0xffff  }
0x59: {  	s30 =	sshll.u32 s28, $0x3;
	s14 =	sshra.s32 s29, $0x2;
	[tilespmem:s5+$0x0 ss:$0x11] =	vst.msk $0xffff, v3;
	s27 =	sshll.u32 s25, $0x3;
	v62 =	vld.idx.msk [tilespmem:v0+s26+$0x40 ss:$0x1], $0xffff  }
0x5a: {  	v3 =	vld.idx.msk [tilespmem:v0+s16+$0x30 ss:$0x1], $0xffff;
	[tilespmem:s9+$0x0 ss:$0x11] =	vst.msk $0xffff, v60;
	s10 =	sand.u32 $0x1C00, s30;
	s15 =	sshra.s32 s23, $0x2;
	s29 =	sand.u32 $0x1C00, s27  }
0x5b: {  	s16 =	smul.u32 $0x44, s25;
	s1 =	sadd.s32 s14, s20;
	s14 =	sshll.u32 s31, $0x3;
	[tilespmem:s7+$0x0 ss:$0x11] =	vst.msk $0xffff, v61;
	v63 =	vld.idx.msk [tilespmem:v0+s29+$0x50 ss:$0x1], $0xffff  }
0x5c: {  	s22 =	sshra.s32 s4, $0x2;
	s23 =	smul.u32 $0x44, s28;
	s21 =	sand.u32 $0x1C00, s14;
	[tilespmem:s0+$0x0 ss:$0x11] =	vst.msk $0xffff, v1;
	v1 =	vld.idx.msk [tilespmem:v0+s10+$0x60 ss:$0x1], $0xffff  }
0x5d: {  	p1 =	por p0, p0;
	s26 =	smul.u32 $0x44, s31;
	s24 =	sadd.s32 s22, s20;
	[tilespmem:s1+$0x0 ss:$0x11] =	vst.msk $0xffff, v2;
	v2 =	vld.idx.msk [tilespmem:v0+s21+$0x70 ss:$0x1], $0xffff  }
.Ltmp3:
0x5e: {  	s25 =	sshra.s32 s16, $0x2;
	s0 =	sadd.s32 s15, s20;
	[tilespmem:s24+$0x0 ss:$0x11] =	vst.msk $0xffff, v62;
	(pc) =	sbr.rel @p1 .LBB1_4-.Ltmp3, $4  }
0x5f: {  	s28 =	sshra.s32 s23, $0x2;
	s27 =	sadd.s32 s25, s20;
	[tilespmem:s0+$0x0 ss:$0x11] =	vst.msk $0xffff, v3  }
0x60: {  	s30 =	sshra.s32 s26, $0x2;
	s29 =	sadd.s32 s28, s20;
	[tilespmem:s27+$0x0 ss:$0x11] =	vst.msk $0xffff, v63  }
0x61: {  	s31 =	sadd.s32 s30, s20;
	[tilespmem:s29+$0x0 ss:$0x11] =	vst.msk $0xffff, v1  }
0x62: {  	p0 =	por $0x0, $0x0;
	s21 =	simm.s32 $0x200;
	[tilespmem:s31+$0x0 ss:$0x11] =	vst.msk $0xffff, v2  }
0x63: {  	s19 =	sadd.s32 $0x1, s19  }
0x64: {  	p0 =	sne.s32 s19, $0x10  }
.Ltmp4:
0x65: {  	_ = 	snop;
	(pc) =	sbr.rel @p0 .LBB1_3-.Ltmp4, $1  }
0x66: {  	_ =	sdelay $0x3  }
0x67: {  	s0 =	rddreg [dreg:$0xa]  }
0x68: {  	s1 =	rddreg [dreg:$0xb]  }
0x69: {  	s2 =	rddreg [dreg:$0x9]  }
0x6a: {  	s3 =	rddreg [dreg:$0x6]  }
0x6b: {  	s30 =	simm.s32 $0x10;
	s7 =	rddreg [dreg:$0x3];
	s0 =	smul.u32 $0xE00, s0  }
.Ltmp5:
0x6c: {  	s8 =	rddreg [dreg:$0x4];
	s1 =	sshll.u32 s1, $0x8;
	(pc) =	sbr.rel .LBB1_7-.Ltmp5, $4  }
0x6d: {  	s5 =	rddreg [dreg:$0x5];
	s2 =	sshll.u32 s2, $0x4;
	s1 =	sadd.s32 s3, s1  }
0x6e: {  	s6 =	rddreg [dreg:$0x7];
	s2 =	sand.u32 $0xF0, s2;
	s0 =	sadd.s32 s0, s1  }
0x6f: {  	s31 =	simm.s32 $0x7000;
	s9 =	rddreg [dreg:$0x8];
	s0 =	sadd.s32 s2, s0  }
0x70: {  	[hbm4b:s0+s30] =	stream.strided.scatter [tilespmem:s17], [sflag:$0x2], $0x4000, s31, s30, $0x8;
	[tilespmem:$0x10800] =	vst v63  }
.LBB1_8:
0x71: {  	_ =	sfence.sel $0x180000  }
0x72: {  	s0 =	simm.s32 $0x1;
	[bflag:$0x0] =	sbarrier.arrive $0xFFFF  }
0x73: {  	s30 =	simm.s32 $0x2;
	[sflag:s0] =	ssyncpa.u1 $0x1  }
0x74: {  	[sflag:s30] =	ssyncpa.u1 $0x1  }
0x75: {  	_ =	strace $0x90000047  }
0x76: {  	s31 =	stileid.u32;
	[bflag:$0x2] =	sbarrier.arrive $0xFFFF  }
0x77: {  	p0 =	sne.s32 s31, $0x0;
	s0 =	rddreg [dreg:$0x2]  }
0x78: {  	s0 =	sadd.s32 @!p0 $0x100000, s0  }
0x79: {  	[sflag:s0] =	ssyncadd.tile.s32 @!p0 $0x1;
	_ =	shalt  }
.Lfunc_end1:
_tile_overlayer_lowered:
.L_overlay_start_2:
0x7a: {  	(tag) =	ssettag $0x2  }
0x7b: {  	s0 =	rddreg [dreg:$0x0];
	s2 =	stileid.u32  }
0x7c: {  	s1 =	rddreg [dreg:$0x1];
	p0 =	sne.s32 s2, $0x0  }
0x7d: {  	s3 =	rddreg [dreg:$0x2];
	[bflag:$0x3] =	sbarrier.arrive $0xFFFF;
	s2 =	simm.s32 @!p0 $0x1C01  }
0x7e: {  	[timem:s3], [sflag:s2] =	dma.local @!p0 [hbm:s0], s1  }
0x7f: {  	s0 =	simm.s32 @!p0 $0x1  }
0x80: {  	_ =	swait.ge @!p0 [sflag:s0], s1  }
0x81: {  	s1 =	ssub.s32 @!p0 $0x0, s1;
	[sflag:s0] =	ssyncset.done @!p0 $0x0  }
0x82: {  	[sflag:s0] =	ssyncadd.s32 @!p0 s1  }
0x83: {  	[bflag:$0x3] =	sbarrier.arrive $0xFFFF  }
0x84: {  	_ =	shalt  }

</sc_bundles>
